<compile_context>
chip_gen: v7x
topology: tpu7x:2x2x1
jax: 0.10.2.dev20260603
libtpu: 0.0.44.dev20260713+nightly
codegen_flags: <defaults>
</compile_context>

<pallas_src>
import functools

import jax
import jax.numpy as jnp
from jax import lax
from jax.experimental import pallas as pl
from jax.experimental.pallas import tpu as pltpu
from jax.experimental.pallas import tpu_sc as plsc

_N = 4096
_LO, _HI = 1024, 3072
_NC, _NS = 2, 16
_NW = _NC * _NS
_FRPW = (_HI - _LO) // _NW
_FCH = 16

_mesh = plsc.VectorSubcoreMesh(core_axis_name="c", subcore_axis_name="s")


@functools.partial(
    pl.kernel,
    out_type=jax.ShapeDtypeStruct((1, _N, _N), jnp.float32),
    mesh=_mesh,
    scratch_types=[
        pltpu.VMEM((_FCH, _HI - _LO), jnp.float32),
        pltpu.VMEM((16,), jnp.float32),
        pltpu.SemaphoreType.DMA,
    ],
)
def _sc_fill(bt_hbm, o_hbm, fbuf, btv, sem):
    wid = lax.axis_index("s") * _NC + lax.axis_index("c")
    base = _LO + wid * _FRPW

    pltpu.sync_copy(bt_hbm, btv)
    splat = btv[...]

    def _fill(c, carry):
        for rr in range(_FCH):
            fbuf[rr, pl.ds(c * 16, 16)] = splat
        return carry

    lax.fori_loop(0, (_HI - _LO) // 16, _fill, 0)

    copies = [
        pltpu.make_async_copy(
            fbuf, o_hbm.at[0, pl.ds(base + k * _FCH, _FCH), pl.ds(_LO, _HI - _LO)],
            sem)
        for k in range(_FRPW // _FCH)
    ]
    for c in copies:
        c.start()
    for c in copies:
        c.wait()


_BR, _BC = 512, 1024
_RB0, _RB1 = _LO // _BR, _HI // _BR
_CB0, _CB1 = _LO // _BC, _HI // _BC


def _park(r, c):
    interior = (r >= _RB0) & (r < _RB1) & (c >= _CB0) & (c < _CB1)
    return (0, r, jnp.where(interior, 0, c))


def _tc_body(b_ref, filled_ref, o_ref):
    r = pl.program_id(0)
    c = pl.program_id(1)
    interior = (r >= _RB0) & (r < _RB1) & (c >= _CB0) & (c < _CB1)

    @pl.when(jnp.logical_not(interior))
    def _copy():
        o_ref[...] = b_ref[...]


def _tc_exterior(B, filled):
    return pl.pallas_call(
        _tc_body,
        grid=(_N // _BR, _N // _BC),
        in_specs=[
            pl.BlockSpec((1, _BR, _BC), _park),
            pl.BlockSpec(memory_space=pl.ANY),
        ],
        out_specs=pl.BlockSpec((1, _BR, _BC), _park),
        out_shape=jax.ShapeDtypeStruct((1, _N, _N), jnp.float32),
        input_output_aliases={1: 0},
    )(B, filled)


def kernel(B, Bt):
    bt16 = jnp.broadcast_to(jnp.reshape(Bt, (1,)), (16,))
    filled = _sc_fill(bt16)
    return _tc_exterior(B, filled)

# --- scband reference (transcript-rebuilt; emitter-appended) ---
"""Pipeline reference for scband-wave-rectangle-source-30803505446929 (READ-ONLY COPY).

The authoritative reference and input builder live on the scoring server;
editing this copy changes nothing except your own understanding.
"""

import jax, jax.numpy as jnp
import numpy as np

R0, C0, R1, C1 = 1024, 1024, 3071, 3071


def setup_inputs(seed: int = 0) -> dict:
    key = jax.random.key(seed)
    k1, k2 = jax.random.split(key)
    B = jax.random.normal(k1, (1, 4096, 4096), dtype=jnp.float32)
    Bt = jax.random.normal(k2, (1, 1), dtype=jnp.float32)
    return {"B": B, "Bt": Bt}


def reference(B, Bt):
    # skimage.draw.rectangle((r0, c0), end=(r1, c1)) returns a meshgrid of
    # row and column indices covering the inclusive rectangle.
    rr = jnp.arange(R0, R1 + 1, dtype=jnp.int64)[:, None]   # (Hr, 1)
    cc = jnp.arange(C0, C1 + 1, dtype=jnp.int64)[None, :]   # (1, Wr)
    rr2 = jnp.broadcast_to(rr, (R1 - R0 + 1, C1 - C0 + 1))
    cc2 = jnp.broadcast_to(cc, (R1 - R0 + 1, C1 - C0 + 1))
    # B[0, x, y] = Bt[0, 0]  (scatter-overwrite of a scalar into the rectangle)
    out = B.at[0, rr2, cc2].set(Bt[0, 0])
    return out

if __name__ == "__main__":
    import jax
    _d = setup_inputs()
    print(jax.jit(kernel)(*tuple(_d.values())))

</pallas_src>

<mosaic_0001>
#map = affine_map<(d0, d1) -> (0)>
#map1 = affine_map<(d0, d1) -> (0, 0, 0)>
module attributes {stable_mosaic.version = 14 : i64} {
  func.func @_sc_fill(%arg0: i32, %arg1: i32, %arg2: memref<16xf32, #tpu.memory_space<hbm>>, %arg3: memref<1x4096x4096xf32, #tpu.memory_space<hbm>>, %arg4: memref<16x2048xf32, #tpu.memory_space<vmem>>, %arg5: memref<16xf32, #tpu.memory_space<vmem>>, %arg6: memref<!tpu.dma_semaphore, #tpu.memory_space<semaphore_mem>>) attributes {dimension_semantics = [#tpu.dimension_semantics<core_parallel>, #tpu.dimension_semantics<subcore_parallel>], iteration_bounds = array<i64: 2, 16>, scalar_prefetch = 0 : i64, scratch_operands = 3 : i64, tpu.core_type = #tpu.core_type<sc_vector_subcore>, window_params = [{transform_indices = #map}, {transform_indices = #map1}]} {
    %mul3A = arith.constant 2 : i32
    %mul3A_0 = arith.muli %arg1, %mul3A : i32
    %add3A = arith.addi %mul3A_0, %arg0 : i32
    %mul3A_1 = arith.constant 64 : i32
    %mul3A_2 = arith.muli %add3A, %mul3A_1 : i32
    %add3A_3 = arith.constant 1024 : i32
    %add3A_4 = arith.addi %add3A_3, %mul3A_2 : i32
    "tpu.region"() ({
      %run_scoped3A = tpu.sem_alloc : memref<!tpu.dma_semaphore, #tpu.memory_space<semaphore_mem>>
      tpu.enqueue_dma source(%arg2 : memref<16xf32, #tpu.memory_space<hbm>>) target(%arg5 : memref<16xf32, #tpu.memory_space<vmem>>) target_semaphore(%run_scoped3A : memref<!tpu.dma_semaphore, #tpu.memory_space<semaphore_mem>>)
      tpu.wait_dma2 semaphore(%run_scoped3A : memref<!tpu.dma_semaphore, #tpu.memory_space<semaphore_mem>>) src(%arg2 : memref<16xf32, #tpu.memory_space<hbm>>) dst(%arg5 : memref<16xf32, #tpu.memory_space<vmem>>)
      tpu.yield
    }) : () -> ()
    %get3A = arith.constant 0 : index
    %get3A_5 = tpu.vector_load %arg5[%get3A] {strides = array<i32>} : memref<16xf32, #tpu.memory_space<vmem>>, vector<16xf32>,
    %get3A_6 = vector.shape_cast %get3A_5 : vector<16xf32> to vector<16xf32>
    %scan3A = arith.constant 0 : i32
    %scan3A_7 = arith.constant 0 : i32
    %scan3A_8 = arith.constant 128 : i32
    %scan3A_9 = arith.addi %scan3A_7, %scan3A_8 : i32
    %scan3A_10 = arith.constant 1 : i32
    scf.for %scan3A_74 = %scan3A_7 to %scan3A_9 step %scan3A_10  : i32 {
      %mul3A_75 = arith.constant 16 : i32
      %mul3A_76 = arith.muli %scan3A_74, %mul3A_75 : i32
      %swap3A = arith.constant 0 : i32
      %swap3A_77 = arith.index_cast %swap3A : i32 to index
      %swap3A_78 = arith.index_cast %mul3A_76 : i32 to index
      %swap3A_79 = tpu.vector_load %arg4[%swap3A_77, %swap3A_78] {strides = array<i32>} : memref<16x2048xf32, #tpu.memory_space<vmem>>, vector<1x16xf32>,
      %swap3A_80 = vector.shape_cast %swap3A_79 : vector<1x16xf32> to vector<16xf32>
      %swap3A_81 = vector.shape_cast %get3A_6 : vector<16xf32> to vector<1x16xf32>
      tpu.vector_store %arg4[%swap3A_77, %swap3A_78], %swap3A_81 {strides = array<i32>} : memref<16x2048xf32, #tpu.memory_space<vmem>>, vector<1x16xf32>,
      %mul3A_82 = arith.constant 16 : i32
      %mul3A_83 = arith.muli %scan3A_74, %mul3A_82 : i32
      %swap3A_84 = arith.constant 1 : i32
      %swap3A_85 = arith.index_cast %swap3A_84 : i32 to index
      %swap3A_86 = arith.index_cast %mul3A_83 : i32 to index
      %swap3A_87 = tpu.vector_load %arg4[%swap3A_85, %swap3A_86] {strides = array<i32>} : memref<16x2048xf32, #tpu.memory_space<vmem>>, vector<1x16xf32>,
      %swap3A_88 = vector.shape_cast %swap3A_87 : vector<1x16xf32> to vector<16xf32>
      %swap3A_89 = vector.shape_cast %get3A_6 : vector<16xf32> to vector<1x16xf32>
      tpu.vector_store %arg4[%swap3A_85, %swap3A_86], %swap3A_89 {strides = array<i32>} : memref<16x2048xf32, #tpu.memory_space<vmem>>, vector<1x16xf32>,
      %mul3A_90 = arith.constant 16 : i32
      %mul3A_91 = arith.muli %scan3A_74, %mul3A_90 : i32
      %swap3A_92 = arith.constant 2 : i32
      %swap3A_93 = arith.index_cast %swap3A_92 : i32 to index
      %swap3A_94 = arith.index_cast %mul3A_91 : i32 to index
      %swap3A_95 = tpu.vector_load %arg4[%swap3A_93, %swap3A_94] {strides = array<i32>} : memref<16x2048xf32, #tpu.memory_space<vmem>>, vector<1x16xf32>,
      %swap3A_96 = vector.shape_cast %swap3A_95 : vector<1x16xf32> to vector<16xf32>
      %swap3A_97 = vector.shape_cast %get3A_6 : vector<16xf32> to vector<1x16xf32>
      tpu.vector_store %arg4[%swap3A_93, %swap3A_94], %swap3A_97 {strides = array<i32>} : memref<16x2048xf32, #tpu.memory_space<vmem>>, vector<1x16xf32>,
      %mul3A_98 = arith.constant 16 : i32
      %mul3A_99 = arith.muli %scan3A_74, %mul3A_98 : i32
      %swap3A_100 = arith.constant 3 : i32
      %swap3A_101 = arith.index_cast %swap3A_100 : i32 to index
      %swap3A_102 = arith.index_cast %mul3A_99 : i32 to index
      %swap3A_103 = tpu.vector_load %arg4[%swap3A_101, %swap3A_102] {strides = array<i32>} : memref<16x2048xf32, #tpu.memory_space<vmem>>, vector<1x16xf32>,
      %swap3A_104 = vector.shape_cast %swap3A_103 : vector<1x16xf32> to vector<16xf32>
      %swap3A_105 = vector.shape_cast %get3A_6 : vector<16xf32> to vector<1x16xf32>
      tpu.vector_store %arg4[%swap3A_101, %swap3A_102], %swap3A_105 {strides = array<i32>} : memref<16x2048xf32, #tpu.memory_space<vmem>>, vector<1x16xf32>,
      %mul3A_106 = arith.constant 16 : i32
      %mul3A_107 = arith.muli %scan3A_74, %mul3A_106 : i32
      %swap3A_108 = arith.constant 4 : i32
      %swap3A_109 = arith.index_cast %swap3A_108 : i32 to index
      %swap3A_110 = arith.index_cast %mul3A_107 : i32 to index
      %swap3A_111 = tpu.vector_load %arg4[%swap3A_109, %swap3A_110] {strides = array<i32>} : memref<16x2048xf32, #tpu.memory_space<vmem>>, vector<1x16xf32>,
      %swap3A_112 = vector.shape_cast %swap3A_111 : vector<1x16xf32> to vector<16xf32>
      %swap3A_113 = vector.shape_cast %get3A_6 : vector<16xf32> to vector<1x16xf32>
      tpu.vector_store %arg4[%swap3A_109, %swap3A_110], %swap3A_113 {strides = array<i32>} : memref<16x2048xf32, #tpu.memory_space<vmem>>, vector<1x16xf32>,
      %mul3A_114 = arith.constant 16 : i32
      %mul3A_115 = arith.muli %scan3A_74, %mul3A_114 : i32
      %swap3A_116 = arith.constant 5 : i32
      %swap3A_117 = arith.index_cast %swap3A_116 : i32 to index
      %swap3A_118 = arith.index_cast %mul3A_115 : i32 to index
      %swap3A_119 = tpu.vector_load %arg4[%swap3A_117, %swap3A_118] {strides = array<i32>} : memref<16x2048xf32, #tpu.memory_space<vmem>>, vector<1x16xf32>,
      %swap3A_120 = vector.shape_cast %swap3A_119 : vector<1x16xf32> to vector<16xf32>
      %swap3A_121 = vector.shape_cast %get3A_6 : vector<16xf32> to vector<1x16xf32>
      tpu.vector_store %arg4[%swap3A_117, %swap3A_118], %swap3A_121 {strides = array<i32>} : memref<16x2048xf32, #tpu.memory_space<vmem>>, vector<1x16xf32>,
      %mul3A_122 = arith.constant 16 : i32
      %mul3A_123 = arith.muli %scan3A_74, %mul3A_122 : i32
      %swap3A_124 = arith.constant 6 : i32
      %swap3A_125 = arith.index_cast %swap3A_124 : i32 to index
      %swap3A_126 = arith.index_cast %mul3A_123 : i32 to index
      %swap3A_127 = tpu.vector_load %arg4[%swap3A_125, %swap3A_126] {strides = array<i32>} : memref<16x2048xf32, #tpu.memory_space<vmem>>, vector<1x16xf32>,
      %swap3A_128 = vector.shape_cast %swap3A_127 : vector<1x16xf32> to vector<16xf32>
      %swap3A_129 = vector.shape_cast %get3A_6 : vector<16xf32> to vector<1x16xf32>
      tpu.vector_store %arg4[%swap3A_125, %swap3A_126], %swap3A_129 {strides = array<i32>} : memref<16x2048xf32, #tpu.memory_space<vmem>>, vector<1x16xf32>,
      %mul3A_130 = arith.constant 16 : i32
      %mul3A_131 = arith.muli %scan3A_74, %mul3A_130 : i32
      %swap3A_132 = arith.constant 7 : i32
      %swap3A_133 = arith.index_cast %swap3A_132 : i32 to index
      %swap3A_134 = arith.index_cast %mul3A_131 : i32 to index
      %swap3A_135 = tpu.vector_load %arg4[%swap3A_133, %swap3A_134] {strides = array<i32>} : memref<16x2048xf32, #tpu.memory_space<vmem>>, vector<1x16xf32>,
      %swap3A_136 = vector.shape_cast %swap3A_135 : vector<1x16xf32> to vector<16xf32>
      %swap3A_137 = vector.shape_cast %get3A_6 : vector<16xf32> to vector<1x16xf32>
      tpu.vector_store %arg4[%swap3A_133, %swap3A_134], %swap3A_137 {strides = array<i32>} : memref<16x2048xf32, #tpu.memory_space<vmem>>, vector<1x16xf32>,
      %mul3A_138 = arith.constant 16 : i32
      %mul3A_139 = arith.muli %scan3A_74, %mul3A_138 : i32
      %swap3A_140 = arith.constant 8 : i32
      %swap3A_141 = arith.index_cast %swap3A_140 : i32 to index
      %swap3A_142 = arith.index_cast %mul3A_139 : i32 to index
      %swap3A_143 = tpu.vector_load %arg4[%swap3A_141, %swap3A_142] {strides = array<i32>} : memref<16x2048xf32, #tpu.memory_space<vmem>>, vector<1x16xf32>,
      %swap3A_144 = vector.shape_cast %swap3A_143 : vector<1x16xf32> to vector<16xf32>
      %swap3A_145 = vector.shape_cast %get3A_6 : vector<16xf32> to vector<1x16xf32>
      tpu.vector_store %arg4[%swap3A_141, %swap3A_142], %swap3A_145 {strides = array<i32>} : memref<16x2048xf32, #tpu.memory_space<vmem>>, vector<1x16xf32>,
      %mul3A_146 = arith.constant 16 : i32
      %mul3A_147 = arith.muli %scan3A_74, %mul3A_146 : i32
      %swap3A_148 = arith.constant 9 : i32
      %swap3A_149 = arith.index_cast %swap3A_148 : i32 to index
      %swap3A_150 = arith.index_cast %mul3A_147 : i32 to index
      %swap3A_151 = tpu.vector_load %arg4[%swap3A_149, %swap3A_150] {strides = array<i32>} : memref<16x2048xf32, #tpu.memory_space<vmem>>, vector<1x16xf32>,
      %swap3A_152 = vector.shape_cast %swap3A_151 : vector<1x16xf32> to vector<16xf32>
      %swap3A_153 = vector.shape_cast %get3A_6 : vector<16xf32> to vector<1x16xf32>
      tpu.vector_store %arg4[%swap3A_149, %swap3A_150], %swap3A_153 {strides = array<i32>} : memref<16x2048xf32, #tpu.memory_space<vmem>>, vector<1x16xf32>,
      %mul3A_154 = arith.constant 16 : i32
      %mul3A_155 = arith.muli %scan3A_74, %mul3A_154 : i32
      %swap3A_156 = arith.constant 10 : i32
      %swap3A_157 = arith.index_cast %swap3A_156 : i32 to index
      %swap3A_158 = arith.index_cast %mul3A_155 : i32 to index
      %swap3A_159 = tpu.vector_load %arg4[%swap3A_157, %swap3A_158] {strides = array<i32>} : memref<16x2048xf32, #tpu.memory_space<vmem>>, vector<1x16xf32>,
      %swap3A_160 = vector.shape_cast %swap3A_159 : vector<1x16xf32> to vector<16xf32>
      %swap3A_161 = vector.shape_cast %get3A_6 : vector<16xf32> to vector<1x16xf32>
      tpu.vector_store %arg4[%swap3A_157, %swap3A_158], %swap3A_161 {strides = array<i32>} : memref<16x2048xf32, #tpu.memory_space<vmem>>, vector<1x16xf32>,
      %mul3A_162 = arith.constant 16 : i32
      %mul3A_163 = arith.muli %scan3A_74, %mul3A_162 : i32
      %swap3A_164 = arith.constant 11 : i32
      %swap3A_165 = arith.index_cast %swap3A_164 : i32 to index
      %swap3A_166 = arith.index_cast %mul3A_163 : i32 to index
      %swap3A_167 = tpu.vector_load %arg4[%swap3A_165, %swap3A_166] {strides = array<i32>} : memref<16x2048xf32, #tpu.memory_space<vmem>>, vector<1x16xf32>,
      %swap3A_168 = vector.shape_cast %swap3A_167 : vector<1x16xf32> to vector<16xf32>
      %swap3A_169 = vector.shape_cast %get3A_6 : vector<16xf32> to vector<1x16xf32>
      tpu.vector_store %arg4[%swap3A_165, %swap3A_166], %swap3A_169 {strides = array<i32>} : memref<16x2048xf32, #tpu.memory_space<vmem>>, vector<1x16xf32>,
      %mul3A_170 = arith.constant 16 : i32
      %mul3A_171 = arith.muli %scan3A_74, %mul3A_170 : i32
      %swap3A_172 = arith.constant 12 : i32
      %swap3A_173 = arith.index_cast %swap3A_172 : i32 to index
      %swap3A_174 = arith.index_cast %mul3A_171 : i32 to index
      %swap3A_175 = tpu.vector_load %arg4[%swap3A_173, %swap3A_174] {strides = array<i32>} : memref<16x2048xf32, #tpu.memory_space<vmem>>, vector<1x16xf32>,
      %swap3A_176 = vector.shape_cast %swap3A_175 : vector<1x16xf32> to vector<16xf32>
      %swap3A_177 = vector.shape_cast %get3A_6 : vector<16xf32> to vector<1x16xf32>
      tpu.vector_store %arg4[%swap3A_173, %swap3A_174], %swap3A_177 {strides = array<i32>} : memref<16x2048xf32, #tpu.memory_space<vmem>>, vector<1x16xf32>,
      %mul3A_178 = arith.constant 16 : i32
      %mul3A_179 = arith.muli %scan3A_74, %mul3A_178 : i32
      %swap3A_180 = arith.constant 13 : i32
      %swap3A_181 = arith.index_cast %swap3A_180 : i32 to index
      %swap3A_182 = arith.index_cast %mul3A_179 : i32 to index
      %swap3A_183 = tpu.vector_load %arg4[%swap3A_181, %swap3A_182] {strides = array<i32>} : memref<16x2048xf32, #tpu.memory_space<vmem>>, vector<1x16xf32>,
      %swap3A_184 = vector.shape_cast %swap3A_183 : vector<1x16xf32> to vector<16xf32>
      %swap3A_185 = vector.shape_cast %get3A_6 : vector<16xf32> to vector<1x16xf32>
      tpu.vector_store %arg4[%swap3A_181, %swap3A_182], %swap3A_185 {strides = array<i32>} : memref<16x2048xf32, #tpu.memory_space<vmem>>, vector<1x16xf32>,
      %mul3A_186 = arith.constant 16 : i32
      %mul3A_187 = arith.muli %scan3A_74, %mul3A_186 : i32
      %swap3A_188 = arith.constant 14 : i32
      %swap3A_189 = arith.index_cast %swap3A_188 : i32 to index
      %swap3A_190 = arith.index_cast %mul3A_187 : i32 to index
      %swap3A_191 = tpu.vector_load %arg4[%swap3A_189, %swap3A_190] {strides = array<i32>} : memref<16x2048xf32, #tpu.memory_space<vmem>>, vector<1x16xf32>,
      %swap3A_192 = vector.shape_cast %swap3A_191 : vector<1x16xf32> to vector<16xf32>
      %swap3A_193 = vector.shape_cast %get3A_6 : vector<16xf32> to vector<1x16xf32>
      tpu.vector_store %arg4[%swap3A_189, %swap3A_190], %swap3A_193 {strides = array<i32>} : memref<16x2048xf32, #tpu.memory_space<vmem>>, vector<1x16xf32>,
      %mul3A_194 = arith.constant 16 : i32
      %mul3A_195 = arith.muli %scan3A_74, %mul3A_194 : i32
      %swap3A_196 = arith.constant 15 : i32
      %swap3A_197 = arith.index_cast %swap3A_196 : i32 to index
      %swap3A_198 = arith.index_cast %mul3A_195 : i32 to index
      %swap3A_199 = tpu.vector_load %arg4[%swap3A_197, %swap3A_198] {strides = array<i32>} : memref<16x2048xf32, #tpu.memory_space<vmem>>, vector<1x16xf32>,
      %swap3A_200 = vector.shape_cast %swap3A_199 : vector<1x16xf32> to vector<16xf32>
      %swap3A_201 = vector.shape_cast %get3A_6 : vector<16xf32> to vector<1x16xf32>
      tpu.vector_store %arg4[%swap3A_197, %swap3A_198], %swap3A_201 {strides = array<i32>} : memref<16x2048xf32, #tpu.memory_space<vmem>>, vector<1x16xf32>,
    }
    %scan3A_11 = arith.constant 128 : i32
    %add3A_12 = arith.constant 0 : i32
    %add3A_13 = arith.addi %add3A_4, %add3A_12 : i32
    %add3A_14 = arith.constant 16 : i32
    %add3A_15 = arith.addi %add3A_4, %add3A_14 : i32
    %add3A_16 = arith.constant 32 : i32
    %add3A_17 = arith.addi %add3A_4, %add3A_16 : i32
    %add3A_18 = arith.constant 48 : i32
    %add3A_19 = arith.addi %add3A_4, %add3A_18 : i32
    %dma_start3A = arith.constant 0 : i32
    %dma_start3A_20 = arith.constant 1024 : i32
    %dma_start3A_21 = tpu.memref_slice %arg3[%dma_start3A, %add3A_13, %dma_start3A_20] : memref<1x4096x4096xf32, #tpu.memory_space<hbm>> -> memref<1x16x2048xf32, #tpu.memory_space<hbm>>
    %dma_start3A_22 = tpu.memref_squeeze %dma_start3A_21 : memref<1x16x2048xf32, #tpu.memory_space<hbm>> -> memref<16x2048xf32, #tpu.memory_space<hbm>>
    %dma_start3A_23 = arith.constant 1024 : i32
    %dma_start3A_24 = tpu.memref_slice %arg3[%dma_start3A, %add3A_13, %dma_start3A_23] : memref<1x4096x4096xf32, #tpu.memory_space<hbm>> -> memref<1x16x2048xf32, #tpu.memory_space<hbm>>
    %dma_start3A_25 = tpu.memref_squeeze %dma_start3A_24 : memref<1x16x2048xf32, #tpu.memory_space<hbm>> -> memref<16x2048xf32, #tpu.memory_space<hbm>>
    tpu.enqueue_dma source(%arg4 : memref<16x2048xf32, #tpu.memory_space<vmem>>) target(%dma_start3A_25 : memref<16x2048xf32, #tpu.memory_space<hbm>>) target_semaphore(%arg6 : memref<!tpu.dma_semaphore, #tpu.memory_space<semaphore_mem>>)
    %dma_start3A_26 = arith.constant 0 : i32
    %dma_start3A_27 = arith.constant 1024 : i32
    %dma_start3A_28 = tpu.memref_slice %arg3[%dma_start3A_26, %add3A_15, %dma_start3A_27] : memref<1x4096x4096xf32, #tpu.memory_space<hbm>> -> memref<1x16x2048xf32, #tpu.memory_space<hbm>>
    %dma_start3A_29 = tpu.memref_squeeze %dma_start3A_28 : memref<1x16x2048xf32, #tpu.memory_space<hbm>> -> memref<16x2048xf32, #tpu.memory_space<hbm>>
    %dma_start3A_30 = arith.constant 1024 : i32
    %dma_start3A_31 = tpu.memref_slice %arg3[%dma_start3A_26, %add3A_15, %dma_start3A_30] : memref<1x4096x4096xf32, #tpu.memory_space<hbm>> -> memref<1x16x2048xf32, #tpu.memory_space<hbm>>
    %dma_start3A_32 = tpu.memref_squeeze %dma_start3A_31 : memref<1x16x2048xf32, #tpu.memory_space<hbm>> -> memref<16x2048xf32, #tpu.memory_space<hbm>>
    tpu.enqueue_dma source(%arg4 : memref<16x2048xf32, #tpu.memory_space<vmem>>) target(%dma_start3A_32 : memref<16x2048xf32, #tpu.memory_space<hbm>>) target_semaphore(%arg6 : memref<!tpu.dma_semaphore, #tpu.memory_space<semaphore_mem>>)
    %dma_start3A_33 = arith.constant 0 : i32
    %dma_start3A_34 = arith.constant 1024 : i32
    %dma_start3A_35 = tpu.memref_slice %arg3[%dma_start3A_33, %add3A_17, %dma_start3A_34] : memref<1x4096x4096xf32, #tpu.memory_space<hbm>> -> memref<1x16x2048xf32, #tpu.memory_space<hbm>>
    %dma_start3A_36 = tpu.memref_squeeze %dma_start3A_35 : memref<1x16x2048xf32, #tpu.memory_space<hbm>> -> memref<16x2048xf32, #tpu.memory_space<hbm>>
    %dma_start3A_37 = arith.constant 1024 : i32
    %dma_start3A_38 = tpu.memref_slice %arg3[%dma_start3A_33, %add3A_17, %dma_start3A_37] : memref<1x4096x4096xf32, #tpu.memory_space<hbm>> -> memref<1x16x2048xf32, #tpu.memory_space<hbm>>
    %dma_start3A_39 = tpu.memref_squeeze %dma_start3A_38 : memref<1x16x2048xf32, #tpu.memory_space<hbm>> -> memref<16x2048xf32, #tpu.memory_space<hbm>>
    tpu.enqueue_dma source(%arg4 : memref<16x2048xf32, #tpu.memory_space<vmem>>) target(%dma_start3A_39 : memref<16x2048xf32, #tpu.memory_space<hbm>>) target_semaphore(%arg6 : memref<!tpu.dma_semaphore, #tpu.memory_space<semaphore_mem>>)
    %dma_start3A_40 = arith.constant 0 : i32
    %dma_start3A_41 = arith.constant 1024 : i32
    %dma_start3A_42 = tpu.memref_slice %arg3[%dma_start3A_40, %add3A_19, %dma_start3A_41] : memref<1x4096x4096xf32, #tpu.memory_space<hbm>> -> memref<1x16x2048xf32, #tpu.memory_space<hbm>>
    %dma_start3A_43 = tpu.memref_squeeze %dma_start3A_42 : memref<1x16x2048xf32, #tpu.memory_space<hbm>> -> memref<16x2048xf32, #tpu.memory_space<hbm>>
    %dma_start3A_44 = arith.constant 1024 : i32
    %dma_start3A_45 = tpu.memref_slice %arg3[%dma_start3A_40, %add3A_19, %dma_start3A_44] : memref<1x4096x4096xf32, #tpu.memory_space<hbm>> -> memref<1x16x2048xf32, #tpu.memory_space<hbm>>
    %dma_start3A_46 = tpu.memref_squeeze %dma_start3A_45 : memref<1x16x2048xf32, #tpu.memory_space<hbm>> -> memref<16x2048xf32, #tpu.memory_space<hbm>>
    tpu.enqueue_dma source(%arg4 : memref<16x2048xf32, #tpu.memory_space<vmem>>) target(%dma_start3A_46 : memref<16x2048xf32, #tpu.memory_space<hbm>>) target_semaphore(%arg6 : memref<!tpu.dma_semaphore, #tpu.memory_space<semaphore_mem>>)
    %dma_wait3A = arith.constant 0 : i32
    %dma_wait3A_47 = arith.constant 1024 : i32
    %dma_wait3A_48 = tpu.memref_slice %arg3[%dma_wait3A, %add3A_13, %dma_wait3A_47] : memref<1x4096x4096xf32, #tpu.memory_space<hbm>> -> memref<1x16x2048xf32, #tpu.memory_space<hbm>>
    %dma_wait3A_49 = tpu.memref_squeeze %dma_wait3A_48 : memref<1x16x2048xf32, #tpu.memory_space<hbm>> -> memref<16x2048xf32, #tpu.memory_space<hbm>>
    %dma_wait3A_50 = arith.constant 1024 : i32
    %dma_wait3A_51 = tpu.memref_slice %arg3[%dma_wait3A, %add3A_13, %dma_wait3A_50] : memref<1x4096x4096xf32, #tpu.memory_space<hbm>> -> memref<1x16x2048xf32, #tpu.memory_space<hbm>>
    %dma_wait3A_52 = tpu.memref_squeeze %dma_wait3A_51 : memref<1x16x2048xf32, #tpu.memory_space<hbm>> -> memref<16x2048xf32, #tpu.memory_space<hbm>>
    tpu.wait_dma2 semaphore(%arg6 : memref<!tpu.dma_semaphore, #tpu.memory_space<semaphore_mem>>) src(%arg4 : memref<16x2048xf32, #tpu.memory_space<vmem>>) dst(%dma_wait3A_52 : memref<16x2048xf32, #tpu.memory_space<hbm>>)
    %dma_wait3A_53 = arith.constant 0 : i32
    %dma_wait3A_54 = arith.constant 1024 : i32
    %dma_wait3A_55 = tpu.memref_slice %arg3[%dma_wait3A_53, %add3A_15, %dma_wait3A_54] : memref<1x4096x4096xf32, #tpu.memory_space<hbm>> -> memref<1x16x2048xf32, #tpu.memory_space<hbm>>
    %dma_wait3A_56 = tpu.memref_squeeze %dma_wait3A_55 : memref<1x16x2048xf32, #tpu.memory_space<hbm>> -> memref<16x2048xf32, #tpu.memory_space<hbm>>
    %dma_wait3A_57 = arith.constant 1024 : i32
    %dma_wait3A_58 = tpu.memref_slice %arg3[%dma_wait3A_53, %add3A_15, %dma_wait3A_57] : memref<1x4096x4096xf32, #tpu.memory_space<hbm>> -> memref<1x16x2048xf32, #tpu.memory_space<hbm>>
    %dma_wait3A_59 = tpu.memref_squeeze %dma_wait3A_58 : memref<1x16x2048xf32, #tpu.memory_space<hbm>> -> memref<16x2048xf32, #tpu.memory_space<hbm>>
    tpu.wait_dma2 semaphore(%arg6 : memref<!tpu.dma_semaphore, #tpu.memory_space<semaphore_mem>>) src(%arg4 : memref<16x2048xf32, #tpu.memory_space<vmem>>) dst(%dma_wait3A_59 : memref<16x2048xf32, #tpu.memory_space<hbm>>)
    %dma_wait3A_60 = arith.constant 0 : i32
    %dma_wait3A_61 = arith.constant 1024 : i32
    %dma_wait3A_62 = tpu.memref_slice %arg3[%dma_wait3A_60, %add3A_17, %dma_wait3A_61] : memref<1x4096x4096xf32, #tpu.memory_space<hbm>> -> memref<1x16x2048xf32, #tpu.memory_space<hbm>>
    %dma_wait3A_63 = tpu.memref_squeeze %dma_wait3A_62 : memref<1x16x2048xf32, #tpu.memory_space<hbm>> -> memref<16x2048xf32, #tpu.memory_space<hbm>>
    %dma_wait3A_64 = arith.constant 1024 : i32
    %dma_wait3A_65 = tpu.memref_slice %arg3[%dma_wait3A_60, %add3A_17, %dma_wait3A_64] : memref<1x4096x4096xf32, #tpu.memory_space<hbm>> -> memref<1x16x2048xf32, #tpu.memory_space<hbm>>
    %dma_wait3A_66 = tpu.memref_squeeze %dma_wait3A_65 : memref<1x16x2048xf32, #tpu.memory_space<hbm>> -> memref<16x2048xf32, #tpu.memory_space<hbm>>
    tpu.wait_dma2 semaphore(%arg6 : memref<!tpu.dma_semaphore, #tpu.memory_space<semaphore_mem>>) src(%arg4 : memref<16x2048xf32, #tpu.memory_space<vmem>>) dst(%dma_wait3A_66 : memref<16x2048xf32, #tpu.memory_space<hbm>>)
    %dma_wait3A_67 = arith.constant 0 : i32
    %dma_wait3A_68 = arith.constant 1024 : i32
    %dma_wait3A_69 = tpu.memref_slice %arg3[%dma_wait3A_67, %add3A_19, %dma_wait3A_68] : memref<1x4096x4096xf32, #tpu.memory_space<hbm>> -> memref<1x16x2048xf32, #tpu.memory_space<hbm>>
    %dma_wait3A_70 = tpu.memref_squeeze %dma_wait3A_69 : memref<1x16x2048xf32, #tpu.memory_space<hbm>> -> memref<16x2048xf32, #tpu.memory_space<hbm>>
    %dma_wait3A_71 = arith.constant 1024 : i32
    %dma_wait3A_72 = tpu.memref_slice %arg3[%dma_wait3A_67, %add3A_19, %dma_wait3A_71] : memref<1x4096x4096xf32, #tpu.memory_space<hbm>> -> memref<1x16x2048xf32, #tpu.memory_space<hbm>>
    %dma_wait3A_73 = tpu.memref_squeeze %dma_wait3A_72 : memref<1x16x2048xf32, #tpu.memory_space<hbm>> -> memref<16x2048xf32, #tpu.memory_space<hbm>>
    tpu.wait_dma2 semaphore(%arg6 : memref<!tpu.dma_semaphore, #tpu.memory_space<semaphore_mem>>) src(%arg4 : memref<16x2048xf32, #tpu.memory_space<vmem>>) dst(%dma_wait3A_73 : memref<16x2048xf32, #tpu.memory_space<hbm>>)
    return
  }
}

module attributes {stable_mosaic.version = 14 : i64} {
  func.func @_tc_body(%arg0: i32, %arg1: i32, %arg2: memref<1x512x1024xf32, #tpu.memory_space<vmem>>, %arg3: memref<1x4096x4096xf32, #tpu.memory_space<any>>, %arg4: memref<1x512x1024xf32, #tpu.memory_space<vmem>>) attributes {dimension_semantics = [#tpu.dimension_semantics<arbitrary>, #tpu.dimension_semantics<arbitrary>], iteration_bounds = array<i64: 8, 4>, scalar_prefetch = 0 : i64, scratch_operands = 0 : i64, tpu.core_type = #tpu.core_type<tc>, window_params = [{transform_indices = @transform_0, window_bounds = array<i64: 1, 512, 1024>}, {}, {transform_indices = @transform_2, window_bounds = array<i64: 1, 512, 1024>}]} {
    %ge3A = arith.constant 2 : i32
    %ge3A_0 = arith.cmpi sge, %arg0, %ge3A : i32
    %lt3A = arith.constant 6 : i32
    %lt3A_1 = arith.cmpi slt, %arg0, %lt3A : i32
    %and3A = arith.andi %ge3A_0, %lt3A_1 : i1
    %ge3A_2 = arith.constant 1 : i32
    %ge3A_3 = arith.cmpi sge, %arg1, %ge3A_2 : i32
    %and3A_4 = arith.andi %and3A, %ge3A_3 : i1
    %lt3A_5 = arith.constant 3 : i32
    %lt3A_6 = arith.cmpi slt, %arg1, %lt3A_5 : i32
    %and3A_7 = arith.andi %and3A_4, %lt3A_6 : i1
    %not3A = arith.constant true
    %not3A_8 = arith.xori %and3A_7, %not3A : i1
    %convert_element_type3A = arith.extui %not3A_8 : i1 to i32
    %cond3A = arith.constant 0 : i32
    %cond3A_9 = arith.cmpi ne, %convert_element_type3A, %cond3A : i32
    scf.if %cond3A_9 {
      %get3A = arith.constant 0 : index
      %get3A_10 = arith.constant 0 : index
      %get3A_11 = arith.constant 0 : index
      %get3A_12 = vector.load %arg2[%get3A, %get3A_10, %get3A_11] : memref<1x512x1024xf32, #tpu.memory_space<vmem>>, vector<1x512x1024xf32>
      %swap3A = arith.constant 0 : index
      %swap3A_13 = arith.constant 0 : index
      %swap3A_14 = arith.constant 0 : index
      %swap3A_15 = vector.load %arg4[%swap3A, %swap3A_13, %swap3A_14] : memref<1x512x1024xf32, #tpu.memory_space<vmem>>, vector<1x512x1024xf32>
      tpu.vector_store %arg4[%swap3A, %swap3A_13, %swap3A_14], %get3A_12 {strides = array<i32>} : memref<1x512x1024xf32, #tpu.memory_space<vmem>>, vector<1x512x1024xf32>,
    } else {
    }
    return
  }
  func.func @transform_0(%arg0: i32, %arg1: i32) -> (i32, i32, i32) {
    %ge3A = arith.constant 2 : i32
    %ge3A_0 = arith.cmpi sge, %arg0, %ge3A : i32
    %lt3A = arith.constant 6 : i32
    %lt3A_1 = arith.cmpi slt, %arg0, %lt3A : i32
    %and3A = arith.andi %ge3A_0, %lt3A_1 : i1
    %ge3A_2 = arith.constant 1 : i32
    %ge3A_3 = arith.cmpi sge, %arg1, %ge3A_2 : i32
    %and3A_4 = arith.andi %and3A, %ge3A_3 : i1
    %lt3A_5 = arith.constant 3 : i32
    %lt3A_6 = arith.cmpi slt, %arg1, %lt3A_5 : i32
    %and3A_7 = arith.andi %and3A_4, %lt3A_6 : i1
    %jit3A = arith.constant 0 : i32
    %select_n3A = arith.select %and3A_7, %jit3A, %arg1 : i32
    %c0_i32 = arith.constant 0 : i32
    %c0_i32_8 = arith.constant 0 : i32
    return %c0_i32, %arg0, %select_n3A : i32, i32, i32
  }
  func.func @transform_2(%arg0: i32, %arg1: i32) -> (i32, i32, i32) {
    %ge3A = arith.constant 2 : i32
    %ge3A_0 = arith.cmpi sge, %arg0, %ge3A : i32
    %lt3A = arith.constant 6 : i32
    %lt3A_1 = arith.cmpi slt, %arg0, %lt3A : i32
    %and3A = arith.andi %ge3A_0, %lt3A_1 : i1
    %ge3A_2 = arith.constant 1 : i32
    %ge3A_3 = arith.cmpi sge, %arg1, %ge3A_2 : i32
    %and3A_4 = arith.andi %and3A, %ge3A_3 : i1
    %lt3A_5 = arith.constant 3 : i32
    %lt3A_6 = arith.cmpi slt, %arg1, %lt3A_5 : i32
    %and3A_7 = arith.andi %and3A_4, %lt3A_6 : i1
    %jit3A = arith.constant 0 : i32
    %select_n3A = arith.select %and3A_7, %jit3A, %arg1 : i32
    %c0_i32 = arith.constant 0 : i32
    %c0_i32_8 = arith.constant 0 : i32
    return %c0_i32, %arg0, %select_n3A : i32, i32, i32
  }
}

</mosaic_0001>

<sc_bundles>
// kernel: kernel.4.cloned.1.call-start
scs
__scs_entry_jumppad:
0x0: {  	(pc) =	sbr.rel $0x88, $3  }
0x1: {  	(tag) =	ssettag $0x0;
	lr =	simm.s32 $0x1  }
0x2: {  	[smem:$0x3F9F] =	sst lr;
	_ =	strace $0xD0000000  }
0x3: {  	_ = 	snop  }
0x4: {  	_ = 	snop  }
0x5: {  	_ = 	snop  }
0x6: {  	_ = 	snop  }
0x7: {  	_ = 	snop  }
__scs_overlays_trampoline_lowered:
0x8: {  	[smem:$0x3FAE] =	sst s0  }
0x9: {  	[smem:$0x3FAF] =	sst s1  }
0xa: {  	[smem:$0x3FB0] =	sst s2  }
0xb: {  	[smem:$0x3FB1] =	sst s3  }
0xc: {  	[smem:$0x3FB2] =	sst s4  }
0xd: {  	[smem:$0x3FB3] =	sst s5  }
0xe: {  	[smem:$0x3FB4] =	sst s6  }
0xf: {  	[smem:$0x3FB5] =	sst s7  }
0x10: {  	[smem:$0x3FB6] =	sst s8  }
0x11: {  	[smem:$0x3FB7] =	sst s9;
	s0 =	simm.s32 @!p0 $0x0  }
0x12: {  	s1 =	sld [smem:$0x3F9D];
	s0 =	simm.s32 @p0 $0x1  }
0x13: {  	[smem:$0x3FB8] =	sst s0;
	s0 =	simm.s32 @!p1 $0x0  }
0x14: {  	s2 =	sld [smem:$0x3F9C];
	s0 =	simm.s32 @p1 $0x1  }
0x15: {  	[smem:$0x3FB9] =	sst s0;
	s0 =	simm.s32 @!p2 $0x0  }
0x16: {  	s3 =	sld [smem:$0x3FDB];
	s0 =	simm.s32 @p2 $0x1  }
0x17: {  	s4 =	simm.s32 $0x1BF5;
	[smem:$0x3FBB] =	sst s0  }
0x18: {  	s0 =	sld [smem:$0x3F9E];
	_ =	swait.ge [sflag:s4], $0x0  }
0x19: {  	s7 =	sld [smem:$0x3F9F]  }
0x1a: {  	s8 =	sadd.s32 $0xFFFFE003, lr  }
0x1b: {  	s9 =	sadd.s32 $0xFFFFFEF7, lr;
	s5 =	simm.s32 $0xFFFFFFFF;
	p2 =	slt.u32 s8, $0xFFFFF086  }
0x1c: {  	p1 =	slt.u32 s9, $0xF7A;
	s5 =	simm.s32 @!p2 $0x0  }
0x1d: {  	s5 =	simm.s32 @p1 $0x1;
	p0 =	seq.s32 s7, s2  }
0x1e: {  	s7 =	smul.u32 @!p0 $0xF7A, s2;
	p2 =	seq.s32 @!p0 s5, $0x0  }
0x1f: {  	s9 =	smul.u32 $0xF7A, s1;
	s8 =	simm.s32 @!p0 $0x1BF5;
	p2 =	por !p2, p0  }
0x20: {  	[sflag:s8] =	ssyncset.s32 @!p0 $0xFFFFF086;
	s6 =	sadd.s32 @!p0 s3, s7;
	s7 =	simm.s32 @!p0 $0x108  }
0x21: {  	s3 =	sadd.s32 s3, s9;
	s6 =	sadd.s32 @!p0 $0x88, s6;
	s7 =	simm.s32 @p2 $0x1082  }
0x22: {  	[simem:s7], [sflag:s8] =	dma.local @!p0 [hbm:s6], $0xF7A  }
0x23: {  	s9 =	sor.u32 $0xD0000000, s2;
	s6 =	simm.s32 $0x108;
	_ =	swait.ge @!p0 [sflag:s8], $0x0  }
0x24: {  	s3 =	sadd.s32 $0x88, s3;
	s6 =	simm.s32 @!p1 $0x1082;
	[sflag:s4] =	ssyncset.s32 $0xFFFFF086  }
0x25: {  	[simem:s6], [sflag:s4] =	dma.local [hbm:s3], $0xF7A  }
0x26: {  	[smem:$0x3F9F] =	sst s1;
	(tag) =	ssettag s2;
	_ =	strace s9  }
0x27: {  	s1 =	sld [smem:$0x3FAF]  }
0x28: {  	s2 =	sld [smem:$0x3FB0]  }
0x29: {  	s4 =	sld [smem:$0x3FB2]  }
0x2a: {  	p0 =	seq.s32 s5, $0x0;
	s5 =	sld [smem:$0x3FB3]  }
0x2b: {  	s6 =	sld [smem:$0x3FB4]  }
0x2c: {  	s7 =	sld [smem:$0x3FB5]  }
0x2d: {  	s3 =	simm.s32 $0x108;
	s8 =	sld [smem:$0x3FB6]  }
0x2e: {  	s3 =	simm.s32 @!p0 $0x1082;
	s9 =	sld [smem:$0x3FB7]  }
0x2f: {  	lr =	sadd.s32 s0, s3;
	s0 =	sld [smem:$0x3FAE]  }
0x30: {  	s3 =	sld [smem:$0x3FB1]  }
0x31: {  	[smem:$0x3FBA] =	sst s10  }
0x32: {  	s10 =	sld [smem:$0x3FB8];
	_ =	sdelay $0x3  }
0x33: {  	p0 =	seq.s32 s10, $0x1;
	s10 =	sld [smem:$0x3FBA];
	_ =	sdelay $0x3  }
0x34: {  	[smem:$0x3FBA] =	sst s10  }
0x35: {  	s10 =	sld [smem:$0x3FB9];
	_ =	sdelay $0x3  }
0x36: {  	p1 =	seq.s32 s10, $0x1;
	s10 =	sld [smem:$0x3FBA];
	_ =	sdelay $0x3  }
0x37: {  	[smem:$0x3FBA] =	sst s10  }
0x38: {  	s10 =	sld [smem:$0x3FBB]  }
0x39: {  	_ = 	snop;
	(pc) =	sbr.ind lr, $3  }
0x3a: {  	_ = 	snop  }
0x3b: {  	_ = 	snop  }
0x3c: {  	p2 =	seq.s32 s10, $0x1;
	s10 =	sld [smem:$0x3FBA]  }
0x3d: {  	_ =	shalt  }
0x3e: {  	_ =	shalt  }
0x3f: {  	_ =	shalt  }
0x40: {  	_ =	shalt  }
0x41: {  	_ =	shalt  }
0x42: {  	_ =	shalt  }
0x43: {  	_ =	shalt  }
0x44: {  	_ =	shalt  }
0x45: {  	_ =	shalt  }
0x46: {  	_ =	shalt  }
0x47: {  	_ =	shalt  }
0x48: {  	_ =	shalt  }
0x49: {  	_ =	shalt  }
0x4a: {  	_ =	shalt  }
0x4b: {  	_ =	shalt  }
0x4c: {  	_ =	shalt  }
0x4d: {  	_ =	shalt  }
0x4e: {  	_ =	shalt  }
0x4f: {  	_ =	shalt  }
0x50: {  	_ =	shalt  }
0x51: {  	_ =	shalt  }
0x52: {  	_ =	shalt  }
0x53: {  	_ =	shalt  }
0x54: {  	_ =	shalt  }
0x55: {  	_ =	shalt  }
0x56: {  	_ =	shalt  }
0x57: {  	_ =	shalt  }
0x58: {  	_ =	shalt  }
0x59: {  	_ =	shalt  }
0x5a: {  	_ =	shalt  }
0x5b: {  	_ =	shalt  }
0x5c: {  	_ =	shalt  }
0x5d: {  	_ =	shalt  }
0x5e: {  	_ =	shalt  }
0x5f: {  	_ =	shalt  }
0x60: {  	_ =	shalt  }
0x61: {  	_ =	shalt  }
0x62: {  	_ =	shalt  }
0x63: {  	_ =	shalt  }
0x64: {  	_ =	shalt  }
0x65: {  	_ =	shalt  }
0x66: {  	_ =	shalt  }
0x67: {  	_ =	shalt  }
0x68: {  	_ =	shalt  }
0x69: {  	_ =	shalt  }
0x6a: {  	_ =	shalt  }
0x6b: {  	_ =	shalt  }
0x6c: {  	_ =	shalt  }
0x6d: {  	_ =	shalt  }
0x6e: {  	_ =	shalt  }
0x6f: {  	_ =	shalt  }
0x70: {  	_ =	shalt  }
0x71: {  	_ =	shalt  }
0x72: {  	_ =	shalt  }
0x73: {  	_ =	shalt  }
0x74: {  	_ =	shalt  }
0x75: {  	_ =	shalt  }
0x76: {  	_ =	shalt  }
0x77: {  	_ =	shalt  }
0x78: {  	_ =	shalt  }
0x79: {  	_ =	shalt  }
0x7a: {  	_ =	shalt  }
0x7b: {  	_ =	shalt  }
0x7c: {  	_ =	shalt  }
0x7d: {  	_ =	shalt  }
0x7e: {  	_ =	shalt  }
0x7f: {  	_ =	shalt  }
0x80: {  	_ =	shalt  }
0x81: {  	_ =	shalt  }
0x82: {  	_ =	shalt  }
0x83: {  	_ =	shalt  }
0x84: {  	_ =	shalt  }
0x85: {  	_ =	shalt  }
0x86: {  	_ =	shalt  }
0x87: {  	_ =	shalt  }
.Lfunc_end0:
.L_simem_size_0:
called_computation_lowered:
.L_overlay_start_0:
0x88: {  	s2 =	sld [smem:$0x3FD9]  }
0x89: {  	s3 =	sld [smem:$0x3FFE];
	_ =	sdelay $0x1  }
0x8a: {  	s1 =	srdreg.scid  }
0x8b: {  	s0 =	sand.u32 $0x1, s1  }
0x8c: {  	s17 =	sshll.u32 s0, $0xA;
	s2 =	sadd.s32 s3, s2  }
0x8d: {  	s2 =	sadd.s32 s2, s17  }
0x8e: {  	[smem:$0x3FC6] =	sst s2  }
0x8f: {  	_ = 	snop  }
0x90: {  	s2 =	sld [smem:$0x3FD0];
	(tm) =	ssettm $0x1  }
0x91: {  	s18 =	sld [smem:$0x3FFB];
	_ =	sdelay $0x3  }
0x92: {  	_ =	strace s18  }
0x93: {  	s3 =	sld [smem:$0x3FFC];
	_ =	sdelay $0x3  }
0x94: {  	_ =	strace s3  }
0x95: {  	s3 =	sld [smem:$0x3FFD];
	_ =	sdelay $0x3  }
0x96: {  	_ =	strace s3  }
0x97: {  	_ =	strace $0x8FFFFFFF  }
0x98: {  	s19 =	sld [smem:$0x3FDB];
	_ =	sdelay $0x1  }
0x99: {  	s4 =	simm.s32 $_scs_section_size  }
0x9a: {  	s5 =	simm.s32 $_size__tile_overlayer_lowered;
	s6 =	simm.s32 $_tile_overlayer_lowered  }
0x9b: {  	s22 =	simm.s32 $0x1BFF;
	s21 =	sshll.u32 s6, $0x1;
	s3 =	sadd.s32 s4, s19  }
0x9c: {  	s7 =	simm.s32 $0x0;
	s20 =	sshll.u32 s5, $0x1;
	s5 =	sadd.s32 s21, s3  }
0x9d: {  	[timem:s7], [sflag:s22] =	dma.local [hbm:s5], s20  }
0x9e: {  	_ =	swait.ge [sflag:s22], s20  }
0x9f: {  	s4 =	ssub.s32 $0x0, s20;
	[sflag:s22] =	ssyncset.done $0x0  }
0xa0: {  	[sflag:s22] =	ssyncadd.s32 s4;
	_ =	sdelay $0x1  }
0xa1: {  	s23 =	simm.s32 $0x1B8B  }
0xa2: {  	_ =	swait.ge [sflag:s23], $0x1  }
0xa3: {  	[sflag:s23] =	ssyncset.done $0x0  }
0xa4: {  	s25 =	simm.s32 $0x1B8E;
	s24 =	sld [smem:$0x3FFE];
	[sflag:s23] =	ssyncadd.s32 $0xFFFFFFFF  }
0xa5: {  	s26 =	simm.s32 $execute0_lowered;
	[smem:$0x3FD2] =	sst s25  }
0xa6: {  	s5 =	sshll.u32 s26, $0x1;
	_ =	strace $0x80000046;
	[dreg:$0x1] =	wrdreg $0xFFFFFFFF  }
0xa7: {  	s28 =	simm.s32 $_size_execute0_lowered;
	s3 =	sadd.s32 s3, s5;
	[dreg:$0x0] =	wrdreg $0x0  }
0xa8: {  	s5 =	sshll.u32 s28, $0x1;
	[dreg:$0x2] =	wrdreg s3  }
0xa9: {  	[dreg:$0x3] =	wrdreg s5  }
0xaa: {  	[dreg:$0x4] =	wrdreg $0xC0  }
0xab: {  	_ =	task [dreg:s7], $0x5FFFF  }
0xac: {  	[dreg:$0x1] =	wrdreg $0xFFFFFFFF  }
0xad: {  	[dreg:$0x0] =	wrdreg $0x60  }
0xae: {  	[dreg:$0x2] =	wrdreg s24  }
0xaf: {  	[dreg:$0x3] =	wrdreg s2  }
0xb0: {  	[dreg:$0x4] =	wrdreg $0x9  }
0xb1: {  	_ =	task.clear_ibuf [dreg:s7], $0x5FFFF;
	_ =	strace $0x90000046  }
0xb2: {  	s29 =	simm.s32 $0x9;
	_ =	strace $0x80000048  }
0xb3: {  	_ =	swait.ge [sflag:s29], $0x1  }
0xb4: {  	[sflag:s29] =	ssyncadd.s32 $0xFFFFFFFF  }
0xb5: {  	_ =	strace $0x90000048  }
0xb6: {  	_ =	sfence  }
0xb7: {  	s30 =	sld [smem:$0x0];
	_ =	sdelay $0x2  }
0xb8: {  	s31 =	sshll.u32 s1, $0xD;
	s1 =	sshrl.u32 s1, $0x2  }
0xb9: {  	s3 =	sand.u32 $0x4000, s31;
	s1 =	sadd.s32 s1, s30  }
0xba: {  	s0 =	sor.u32 s3, s0;
	s1 =	sshll.u32 s1, $0x11  }
0xbb: {  	s0 =	sor.u32 s1, s0  }
0xbc: {  	s0 =	sadd.s32 $0x8F2B, s0  }
0xbd: {  	[sflag:s0] =	ssyncadd.remote.s32 $0x1  }
0xbe: {  	_ =	sfence.sel $0xFFFF  }
0xbf: {  	[dreg:$0x0] =	wrdreg $0xFFFFFFFF;
	(pc) =	sbr.abs _section_cstart, $3  }
0xc0: {  	[dreg:$0x1] =	wrdreg $0xFFFFFFFF  }
0xc1: {  	_ =	task.clear_ibuf [dreg:s7], $0x2FFFF;
	_ =	strace $0x9FFFFFFF  }
0xc2: {  	(tm) =	ssettm $0x7FFFFFFF  }
0xc3: {  	_ =	shalt  }
tec
execute0_lowered:
.L_overlay_start_1:
0x0: {  	(tag) =	ssettag $0x1  }
0x1: {  	s1 =	srdreg.scid;
	s3 =	rddreg [dreg:$0x0]  }
0x2: {  	s0 =	stileid.u32;
	s5 =	rddreg [dreg:$0x1]  }
0x3: {  	s2 =	simm.s32 $0x0;
	s10 =	simm.s32 $0x2;
	s11 =	simm.s32 $0x4000  }
0x4: {  	s12 =	simm.s32 $0x1;
	s13 =	simm.s32 $0x0;
	s4 =	sand.u32 $0x1, s1  }
0x5: {  	s6 =	sshll.u32 s0, $0x13;
	s1 =	rddreg [dreg:$0x2];
	s7 =	sshll.u32 s4, $0x12  }
0x6: {  	[smem:$0x7FF] =	sst s2;
	s4 =	ssub.s32 $0x2, s4;
	s6 =	sor.u32 s7, s6  }
0x7: {  	s3 =	sadd.s32 $0x400, s3;
	s31 =	sshrl.u32 s4, $0x1;
	s6 =	sshrl.u32 s6, $0x3  }
0x8: {  	_ =	strace $0x80000047;
	s9 =	ssub.s32 s4, s31;
	s8 =	sadd.s32 s5, s6  }
0x9: {  	s4 =	sadd.s32 $0x80400, s8;
	s5 =	sadd.s32 $0x82400, s8;
	s6 =	sadd.s32 $0x84400, s8  }
0xa: {  	s7 =	sadd.s32 $0x86400, s8;
	s8 =	smax.u32 s9, $0x1;
	s9 =	simm.s32 $0x8000  }
.LBB2_1:
0xb: {  	[tilespmem:s9], [sflag:$0x2] =	stream.linear.gather [hbm4b:s3+s2], $0x80, $0x38;
	[tilespmem:$0x8080] =	vst v63  }
0xc: {  	_ =	swait.ge [sflag:s10], $0x80  }
0xd: {  	[sflag:s10] =	ssyncset.done $0x0  }
0xe: {  	[sflag:s10] =	ssyncadd.s32 $0xFFFFFF80  }
0xf: {  	v0 =	vld [tilespmem:$0x8000];
	_ =	sdelay $0x2  }
0x10: {  	s14 =	sand.u32 $0x70, s2;
	s15 =	sand.u32 $0x3C00, s2  }
0x11: {  	s14 =	sor.u32 s14, s15  }
0x12: {  	[tilespmem:s14+$0x80] =	vst v0  }
0x13: {  	[tilespmem:s14+$0x100] =	vst v0  }
0x14: {  	s18 =	sand.u32 $0x7, s2;
	[tilespmem:s14+$0x180] =	vst v0  }
0x15: {  	s16 =	simm.s32 $0x10;
	s17 =	simm.s32 $0x0;
	s15 =	simm.s32 $0x0;
	[tilespmem:s14+$0x200] =	vst v0  }
.LBB2_2:
0x16: {  	p0 =	sne.s32 s16, $0x7F0;
	s18 =	sshll.u32 s18, $0x4;
	[tilespmem:s14+$0x280] =	vst v0  }
0x17: {  	s18 =	sadd.s32 s18, s15;
	[tilespmem:s14+$0x300] =	vst v0  }
0x18: {  	[tilespmem:s14+$0x0] =	vst v0;
	s18 =	sor.u32 $0x380, s18  }
0x19: {  	[tilespmem:s18+$0x0] =	vst v0  }
0x1a: {  	[tilespmem:s14+$0x4000] =	vst v0  }
0x1b: {  	[tilespmem:s14+$0x4080] =	vst v0  }
0x1c: {  	[tilespmem:s14+$0x4100] =	vst v0  }
0x1d: {  	[tilespmem:s14+$0x4180] =	vst v0  }
0x1e: {  	[tilespmem:s14+$0x4200] =	vst v0  }
0x1f: {  	s15 =	sadd.s32 $0x80, s15;
	[tilespmem:s14+$0x4280] =	vst v0  }
0x20: {  	s19 =	sand.u32 $0x3C00, s15;
	s18 =	sand.u32 $0x70, s16;
	[tilespmem:s14+$0x4300] =	vst v0  }
.Ltmp0:
0x21: {  	[tilespmem:s14+$0x4380] =	vst v0;
	s14 =	sor.u32 s18, s19;
	(pc) =	sbr.rel @p0 .LBB2_2-.Ltmp0, $4  }
0x22: {  	[tilespmem:s14+$0x80] =	vst v0  }
0x23: {  	[tilespmem:s14+$0x100] =	vst v0  }
0x24: {  	s17 =	sadd.s32 $0x1, s17;
	[tilespmem:s14+$0x180] =	vst v0  }
0x25: {  	s16 =	sadd.s32 $0x10, s16;
	s18 =	sand.u32 $0x7, s17;
	[tilespmem:s14+$0x200] =	vst v0  }
0x26: {  	s16 =	sshll.u32 s18, $0x4;
	[tilespmem:s14+$0x280] =	vst v0  }
0x27: {  	[tilespmem:s14+$0x300] =	vst v0;
	s15 =	sadd.s32 s16, s15  }
0x28: {  	[tilespmem:s14+$0x0] =	vst v0;
	s15 =	sor.u32 $0x380, s15  }
0x29: {  	[tilespmem:s15+$0x0] =	vst v0  }
0x2a: {  	[tilespmem:s14+$0x4000] =	vst v0  }
0x2b: {  	[tilespmem:s14+$0x4080] =	vst v0  }
0x2c: {  	[tilespmem:s14+$0x4100] =	vst v0  }
0x2d: {  	[tilespmem:s14+$0x4180] =	vst v0  }
0x2e: {  	[tilespmem:s14+$0x4200] =	vst v0  }
0x2f: {  	[tilespmem:s14+$0x4280] =	vst v0  }
0x30: {  	[tilespmem:s14+$0x4300] =	vst v0  }
0x31: {  	[tilespmem:s14+$0x4380] =	vst v0  }
0x32: {  	[hbm4b:s4+s11] =	stream.strided.scatter [tilespmem:s2], [sflag:$0x1], $0x8000, s9, s11, $0x38;
	[tilespmem:$0x8080] =	vst v63  }
0x33: {  	_ = 	snop  }
0x34: {  	[hbm4b:s5+s11] =	stream.strided.scatter [tilespmem:s2], [sflag:$0x1], $0x8000, s9, s11, $0x38;
	[tilespmem:$0x8080] =	vst v63  }
0x35: {  	_ = 	snop  }
0x36: {  	[hbm4b:s6+s11] =	stream.strided.scatter [tilespmem:s2], [sflag:$0x1], $0x8000, s9, s11, $0x38;
	[tilespmem:$0x8080] =	vst v63  }
0x37: {  	_ = 	snop  }
0x38: {  	[hbm4b:s7+s11] =	stream.strided.scatter [tilespmem:s2], [sflag:$0x1], $0x8000, s9, s11, $0x38;
	[tilespmem:$0x8080] =	vst v63  }
0x39: {  	_ =	swait.ge [sflag:s12], $0x8000  }
0x3a: {  	[sflag:s12] =	ssyncset.done $0x0  }
0x3b: {  	[sflag:s12] =	ssyncadd.s32 $0xFFFF8000  }
0x3c: {  	_ =	swait.ge [sflag:s12], $0x8000  }
0x3d: {  	[sflag:s12] =	ssyncset.done $0x0  }
0x3e: {  	s13 =	sadd.s32 $0x1, s13;
	[sflag:s12] =	ssyncadd.s32 $0xFFFF8000  }
0x3f: {  	p0 =	sne.s32 s13, s8;
	_ =	swait.ge [sflag:s12], $0x8000  }
.Ltmp1:
0x40: {  	[sflag:s12] =	ssyncset.done $0x0;
	(pc) =	sbr.rel @p0 .LBB2_1-.Ltmp1, $4  }
0x41: {  	[sflag:s12] =	ssyncadd.s32 $0xFFFF8000  }
0x42: {  	_ =	swait.ge [sflag:s12], $0x8000  }
0x43: {  	[sflag:s12] =	ssyncset.done $0x0  }
0x44: {  	[sflag:s12] =	ssyncadd.s32 $0xFFFF8000  }
0x45: {  	_ =	sfence.sel $0x180000  }
0x46: {  	[bflag:$0x0] =	sbarrier.arrive $0xFFFF  }
0x47: {  	p0 =	sne.s32 s0, $0x0;
	_ =	strace $0x90000047  }
0x48: {  	s0 =	sadd.s32 @!p0 $0x100000, s1;
	[bflag:$0x2] =	sbarrier.arrive $0xFFFF  }
0x49: {  	[sflag:s0] =	ssyncadd.tile.s32 @!p0 $0x1;
	_ =	shalt  }
.Lfunc_end2:
_tile_overlayer_lowered:
.L_overlay_start_2:
0x4a: {  	(tag) =	ssettag $0x2  }
0x4b: {  	s0 =	rddreg [dreg:$0x0];
	s2 =	stileid.u32  }
0x4c: {  	s1 =	rddreg [dreg:$0x1];
	p0 =	sne.s32 s2, $0x0  }
0x4d: {  	s3 =	rddreg [dreg:$0x2];
	[bflag:$0x3] =	sbarrier.arrive $0xFFFF;
	s2 =	simm.s32 @!p0 $0x1C02  }
0x4e: {  	[timem:s3], [sflag:s2] =	dma.local @!p0 [hbm:s0], s1  }
0x4f: {  	s0 =	simm.s32 @!p0 $0x2  }
0x50: {  	_ =	swait.ge @!p0 [sflag:s0], s1  }
0x51: {  	s1 =	ssub.s32 @!p0 $0x0, s1;
	[sflag:s0] =	ssyncset.done @!p0 $0x0  }
0x52: {  	[sflag:s0] =	ssyncadd.s32 @!p0 s1  }
0x53: {  	[bflag:$0x3] =	sbarrier.arrive $0xFFFF  }
0x54: {  	_ =	shalt  }

</sc_bundles>
